<compile_context>
chip_gen: v7x
topology: tpu7x:2x2x1
jax: 0.10.2.dev20260603
libtpu: 0.0.44.dev20260713+nightly
codegen_flags: <defaults>
</compile_context>

<pallas_src>
import jax
import jax.numpy as jnp
from jax import lax
from jax.experimental import pallas as pl

_TH = 16
_H = 384
_W = 384
_CI = 96
_CO_CLS = 24
_CO_REG = 48
_CO = _CO_CLS + _CO_REG
_N = _TH * _W


def _dot(a, b):
    return lax.dot_general(a, b, (((1,), (0,)), ((), ())),
                           preferred_element_type=jnp.float32)


def _rpn_body(body_ref, top_ref, bot_ref, wk_ref, wcr_ref, bcv_ref, bcr_ref,
              cls_ref, reg_ref):
    i = pl.program_id(0)
    nt = pl.num_programs(0)
    bodyt = body_ref[...].astype(jnp.bfloat16).T.reshape(_TH, _W, _CI)
    top = jnp.where(i == 0, jnp.bfloat16(0),
                    top_ref[...].astype(jnp.bfloat16)).T.reshape(1, _W, _CI)
    bot = jnp.where(i == nt - 1, jnp.bfloat16(0),
                    bot_ref[...].astype(jnp.bfloat16)).T.reshape(1, _W, _CI)
    xt = jnp.concatenate([top, bodyt, bot], axis=0)

    zcol = jnp.zeros((_TH + 2, 1, _CI), jnp.bfloat16)
    taps = []
    for dx in range(3):
        if dx == 0:
            xs = jnp.concatenate([zcol, xt[:, :_W - 1, :]], axis=1)
        elif dx == 1:
            xs = xt
        else:
            xs = jnp.concatenate([xt[:, 1:, :], zcol], axis=1)
        for dy in range(3):
            taps.append(xs[dy:dy + _TH].reshape(_N, _CI))
    a = jnp.concatenate(taps, axis=1)
    acc = _dot(a, wk_ref[...])
    h = jnp.maximum(acc + bcv_ref[...], 0.0).astype(jnp.bfloat16)
    o = _dot(h, wcr_ref[...]) + bcr_ref[...]
    ot = o.T
    cls_ref[...] = ot[:_CO_CLS]
    reg_ref[...] = ot[_CO_CLS:]


def kernel(x, W_conv, b_conv, W_cls, b_cls, W_reg, b_reg):
    xin = x[0].reshape(_CI, _H * _W)
    wk = W_conv.transpose(3, 2, 1, 0).reshape(9 * _CI, _CI).astype(jnp.bfloat16)
    wcr = jnp.concatenate([W_cls[:, :, 0, 0].T, W_reg[:, :, 0, 0].T],
                          axis=1).astype(jnp.bfloat16)
    bcv = b_conv.reshape(1, _CI)
    bcr = jnp.concatenate([b_cls, b_reg]).reshape(1, _CO)

    nt = _H // _TH
    cls2d, reg2d = pl.pallas_call(
        _rpn_body,
        grid=(nt,),
        in_specs=[
            pl.BlockSpec((_CI, _N), lambda i: (0, i)),
            pl.BlockSpec((_CI, _W), lambda i: (0, jnp.maximum(i * _TH - 1, 0))),
            pl.BlockSpec((_CI, _W),
                         lambda i: (0, jnp.minimum(i * _TH + _TH, _H - 1))),
            pl.BlockSpec((9 * _CI, _CI), lambda i: (0, 0)),
            pl.BlockSpec((_CI, _CO), lambda i: (0, 0)),
            pl.BlockSpec((1, _CI), lambda i: (0, 0)),
            pl.BlockSpec((1, _CO), lambda i: (0, 0)),
        ],
        out_specs=[
            pl.BlockSpec((_CO_CLS, _N), lambda i: (0, i)),
            pl.BlockSpec((_CO_REG, _N), lambda i: (0, i)),
        ],
        out_shape=[
            jax.ShapeDtypeStruct((_CO_CLS, _H * _W), jnp.float32),
            jax.ShapeDtypeStruct((_CO_REG, _H * _W), jnp.float32),
        ],
    )(xin, xin, xin, wk, wcr, bcv, bcr)
    cls_out = cls2d.reshape(1, _CO_CLS, _H, _W)
    reg_out = reg2d.reshape(1, _CO_REG, _H, _W)
    return (cls_out, reg_out)

# --- scband reference (transcript-rebuilt; emitter-appended) ---
"""Pipeline reference for scband-rpnhead-2388001816936 (READ-ONLY COPY).

The authoritative reference and input builder live on the scoring server;
editing this copy changes nothing except your own understanding.
"""

import jax, jax.numpy as jnp
import numpy as np
from jax import lax

IN_CH = 96
FEAT_CH = 96
NUM_ANCHORS = 12  # len(anchor_scales) * len(anchor_ratios) = 4 * 3


def setup_inputs(seed: int = 0) -> dict:
    key = jax.random.key(seed)
    ks = jax.random.split(key, 4)
    x = jax.random.normal(ks[0], (1, IN_CH, 384, 384), dtype=jnp.float32)
    # 3x3 shared conv (OIHW layout, matching nn.Conv2d weight layout)
    W_conv = jax.random.normal(ks[1], (FEAT_CH, IN_CH, 3, 3), dtype=jnp.float32) * 0.01
    b_conv = jnp.zeros((FEAT_CH,), dtype=jnp.float32)
    # 1x1 classifier: num_anchors * 2 output channels
    W_cls = jax.random.normal(ks[2], (NUM_ANCHORS * 2, FEAT_CH, 1, 1), dtype=jnp.float32) * 0.01
    b_cls = jnp.zeros((NUM_ANCHORS * 2,), dtype=jnp.float32)
    # 1x1 regressor: num_anchors * 4 output channels
    W_reg = jax.random.normal(ks[3], (NUM_ANCHORS * 4, FEAT_CH, 1, 1), dtype=jnp.float32) * 0.01
    b_reg = jnp.zeros((NUM_ANCHORS * 4,), dtype=jnp.float32)
    return {"x": x, "W_conv": W_conv, "b_conv": b_conv,
            "W_cls": W_cls, "b_cls": b_cls, "W_reg": W_reg, "b_reg": b_reg}


def _conv2d(x, W, b, padding):
    y = lax.conv_general_dilated(
        x, W, window_strides=(1, 1), padding=padding,
        dimension_numbers=('NCHW', 'OIHW', 'NCHW'))
    return y + b[None, :, None, None]


def reference(x, W_conv, b_conv, W_cls, b_cls, W_reg, b_reg):
    # x = relu(conv(x))
    h = jnp.maximum(_conv2d(x, W_conv, b_conv, 'SAME'), 0.0)
    # classifier (1x1 conv) and regressor (1x1 conv)
    cls_out = _conv2d(h, W_cls, b_cls, 'VALID')
    reg_out = _conv2d(h, W_reg, b_reg, 'VALID')
    return (cls_out, reg_out)

if __name__ == "__main__":
    import jax
    _d = setup_inputs()
    print(jax.jit(kernel)(*tuple(_d.values())))

</pallas_src>

<mosaic_0001>
module attributes {stable_mosaic.version = 14 : i64} {
  func.func @_rpn_body(%arg0: i32, %arg1: memref<96x6144xf32, #tpu.memory_space<vmem>>, %arg2: memref<96x384xf32, #tpu.memory_space<vmem>>, %arg3: memref<96x384xf32, #tpu.memory_space<vmem>>, %arg4: memref<864x96xbf16, #tpu.memory_space<vmem>>, %arg5: memref<96x72xbf16, #tpu.memory_space<vmem>>, %arg6: memref<1x96xf32, #tpu.memory_space<vmem>>, %arg7: memref<1x72xf32, #tpu.memory_space<vmem>>, %arg8: memref<24x6144xf32, #tpu.memory_space<vmem>>, %arg9: memref<48x6144xf32, #tpu.memory_space<vmem>>) attributes {dimension_semantics = [#tpu.dimension_semantics<arbitrary>], iteration_bounds = array<i64: 24>, scalar_prefetch = 0 : i64, scratch_operands = 0 : i64, tpu.core_type = #tpu.core_type<tc>, window_params = [{transform_indices = @transform_0, window_bounds = array<i64: 96, 6144>}, {transform_indices = @transform_1, window_bounds = array<i64: 96, 384>}, {transform_indices = @transform_2, window_bounds = array<i64: 96, 384>}, {pipeline_mode = #tpu.pipeline_mode<synchronous>, transform_indices = @transform_3, window_bounds = array<i64: 864, 96>}, {pipeline_mode = #tpu.pipeline_mode<synchronous>, transform_indices = @transform_4, window_bounds = array<i64: 96, 72>}, {pipeline_mode = #tpu.pipeline_mode<synchronous>, transform_indices = @transform_5, window_bounds = array<i64: 1, 96>}, {pipeline_mode = #tpu.pipeline_mode<synchronous>, transform_indices = @transform_6, window_bounds = array<i64: 1, 72>}, {transform_indices = @transform_7, window_bounds = array<i64: 24, 6144>}, {transform_indices = @transform_8, window_bounds = array<i64: 48, 6144>}]} {
    %get3A = arith.constant 0 : index
    %get3A_0 = arith.constant 0 : index
    %get3A_1 = vector.load %arg1[%get3A, %get3A_0] : memref<96x6144xf32, #tpu.memory_space<vmem>>, vector<96x6144xf32>
    %convert_element_type3A = arith.truncf %get3A_1 : vector<96x6144xf32> to vector<96x6144xbf16>
    %transpose3A = tpu.transpose %convert_element_type3A, [1, 0] : vector<96x6144xbf16> -> vector<6144x96xbf16>
    %reshape3A = vector.shape_cast %transpose3A : vector<6144x96xbf16> to vector<16x384x96xbf16>
    %eq3A = arith.constant 0 : i32
    %eq3A_2 = arith.cmpi eq, %arg0, %eq3A : i32
    %get3A_3 = arith.constant 0 : index
    %get3A_4 = arith.constant 0 : index
    %get3A_5 = vector.load %arg2[%get3A_3, %get3A_4] : memref<96x384xf32, #tpu.memory_space<vmem>>, vector<96x384xf32>
    %convert_element_type3A_6 = arith.truncf %get3A_5 : vector<96x384xf32> to vector<96x384xbf16>
    %jit3A = arith.constant 0.000000e+00 : bf16
    %broadcast_in_dim3A = vector.broadcast %jit3A : bf16 to vector<96x384xbf16>
    %select_n3A = arith.select %eq3A_2, %broadcast_in_dim3A, %convert_element_type3A_6 : vector<96x384xbf16>
    %transpose3A_7 = tpu.transpose %select_n3A, [1, 0] : vector<96x384xbf16> -> vector<384x96xbf16>
    %reshape3A_8 = vector.shape_cast %transpose3A_7 : vector<384x96xbf16> to vector<1x384x96xbf16>
    %eq3A_9 = arith.constant 23 : i32
    %eq3A_10 = arith.cmpi eq, %arg0, %eq3A_9 : i32
    %get3A_11 = arith.constant 0 : index
    %get3A_12 = arith.constant 0 : index
    %get3A_13 = vector.load %arg3[%get3A_11, %get3A_12] : memref<96x384xf32, #tpu.memory_space<vmem>>, vector<96x384xf32>
    %convert_element_type3A_14 = arith.truncf %get3A_13 : vector<96x384xf32> to vector<96x384xbf16>
    %jit3A_15 = arith.constant 0.000000e+00 : bf16
    %broadcast_in_dim3A_16 = vector.broadcast %jit3A_15 : bf16 to vector<96x384xbf16>
    %select_n3A_17 = arith.select %eq3A_10, %broadcast_in_dim3A_16, %convert_element_type3A_14 : vector<96x384xbf16>
    %transpose3A_18 = tpu.transpose %select_n3A_17, [1, 0] : vector<96x384xbf16> -> vector<384x96xbf16>
    %reshape3A_19 = vector.shape_cast %transpose3A_18 : vector<384x96xbf16> to vector<1x384x96xbf16>
    %concatenate3A = tpu.concatenate %reshape3A_8, %reshape3A, %reshape3A_19 in 0 : vector<1x384x96xbf16>, vector<16x384x96xbf16>, vector<1x384x96xbf16> -> vector<18x384x96xbf16>
    %broadcast_in_dim3A_20 = arith.constant 0.000000e+00 : bf16
    %broadcast_in_dim3A_21 = vector.broadcast %broadcast_in_dim3A_20 : bf16 to vector<18x1x96xbf16>
    %slice3A = vector.extract_strided_slice %concatenate3A {offsets = [0, 0, 0], sizes = [18, 383, 96], strides = [1, 1, 1]} : vector<18x384x96xbf16> to vector<18x383x96xbf16>
    %concatenate3A_22 = tpu.concatenate %broadcast_in_dim3A_21, %slice3A in 1 : vector<18x1x96xbf16>, vector<18x383x96xbf16> -> vector<18x384x96xbf16>
    %slice3A_23 = vector.extract_strided_slice %concatenate3A_22 {offsets = [0, 0, 0], sizes = [16, 384, 96], strides = [1, 1, 1]} : vector<18x384x96xbf16> to vector<16x384x96xbf16>
    %reshape3A_24 = vector.shape_cast %slice3A_23 : vector<16x384x96xbf16> to vector<6144x96xbf16>
    %slice3A_25 = vector.extract_strided_slice %concatenate3A_22 {offsets = [1, 0, 0], sizes = [16, 384, 96], strides = [1, 1, 1]} : vector<18x384x96xbf16> to vector<16x384x96xbf16>
    %reshape3A_26 = vector.shape_cast %slice3A_25 : vector<16x384x96xbf16> to vector<6144x96xbf16>
    %slice3A_27 = vector.extract_strided_slice %concatenate3A_22 {offsets = [2, 0, 0], sizes = [16, 384, 96], strides = [1, 1, 1]} : vector<18x384x96xbf16> to vector<16x384x96xbf16>
    %reshape3A_28 = vector.shape_cast %slice3A_27 : vector<16x384x96xbf16> to vector<6144x96xbf16>
    %slice3A_29 = vector.extract_strided_slice %concatenate3A {offsets = [0, 0, 0], sizes = [16, 384, 96], strides = [1, 1, 1]} : vector<18x384x96xbf16> to vector<16x384x96xbf16>
    %reshape3A_30 = vector.shape_cast %slice3A_29 : vector<16x384x96xbf16> to vector<6144x96xbf16>
    %slice3A_31 = vector.extract_strided_slice %concatenate3A {offsets = [1, 0, 0], sizes = [16, 384, 96], strides = [1, 1, 1]} : vector<18x384x96xbf16> to vector<16x384x96xbf16>
    %reshape3A_32 = vector.shape_cast %slice3A_31 : vector<16x384x96xbf16> to vector<6144x96xbf16>
    %slice3A_33 = vector.extract_strided_slice %concatenate3A {offsets = [2, 0, 0], sizes = [16, 384, 96], strides = [1, 1, 1]} : vector<18x384x96xbf16> to vector<16x384x96xbf16>
    %reshape3A_34 = vector.shape_cast %slice3A_33 : vector<16x384x96xbf16> to vector<6144x96xbf16>
    %slice3A_35 = vector.extract_strided_slice %concatenate3A {offsets = [0, 1, 0], sizes = [18, 383, 96], strides = [1, 1, 1]} : vector<18x384x96xbf16> to vector<18x383x96xbf16>
    %concatenate3A_36 = tpu.concatenate %slice3A_35, %broadcast_in_dim3A_21 in 1 : vector<18x383x96xbf16>, vector<18x1x96xbf16> -> vector<18x384x96xbf16>
    %slice3A_37 = vector.extract_strided_slice %concatenate3A_36 {offsets = [0, 0, 0], sizes = [16, 384, 96], strides = [1, 1, 1]} : vector<18x384x96xbf16> to vector<16x384x96xbf16>
    %reshape3A_38 = vector.shape_cast %slice3A_37 : vector<16x384x96xbf16> to vector<6144x96xbf16>
    %slice3A_39 = vector.extract_strided_slice %concatenate3A_36 {offsets = [1, 0, 0], sizes = [16, 384, 96], strides = [1, 1, 1]} : vector<18x384x96xbf16> to vector<16x384x96xbf16>
    %reshape3A_40 = vector.shape_cast %slice3A_39 : vector<16x384x96xbf16> to vector<6144x96xbf16>
    %slice3A_41 = vector.extract_strided_slice %concatenate3A_36 {offsets = [2, 0, 0], sizes = [16, 384, 96], strides = [1, 1, 1]} : vector<18x384x96xbf16> to vector<16x384x96xbf16>
    %reshape3A_42 = vector.shape_cast %slice3A_41 : vector<16x384x96xbf16> to vector<6144x96xbf16>
    %concatenate3A_43 = tpu.concatenate %reshape3A_24, %reshape3A_26, %reshape3A_28, %reshape3A_30, %reshape3A_32, %reshape3A_34, %reshape3A_38, %reshape3A_40, %reshape3A_42 in 1 : vector<6144x96xbf16>, vector<6144x96xbf16>, vector<6144x96xbf16>, vector<6144x96xbf16>, vector<6144x96xbf16>, vector<6144x96xbf16>, vector<6144x96xbf16>, vector<6144x96xbf16>, vector<6144x96xbf16> -> vector<6144x864xbf16>
    %get3A_44 = arith.constant 0 : index
    %get3A_45 = arith.constant 0 : index
    %get3A_46 = vector.load %arg4[%get3A_44, %get3A_45] : memref<864x96xbf16, #tpu.memory_space<vmem>>, vector<864x96xbf16>
    %dot_general3A = arith.constant dense<0.000000e+00> : vector<6144x96xf32>
    %dot_general3A_47 = tpu.matmul %concatenate3A_43, %get3A_46, %dot_general3A {dimension_numbers = #tpu.dot_dimension_numbers<[1], [0], [0], [1], [0, 0, 1, 1], [], []>, transpose_lhs_hint = false} : vector<6144x864xbf16>, vector<864x96xbf16>, vector<6144x96xf32> -> vector<6144x96xf32>
    %get3A_48 = arith.constant 0 : index
    %get3A_49 = arith.constant 0 : index
    %get3A_50 = vector.load %arg6[%get3A_48, %get3A_49] : memref<1x96xf32, #tpu.memory_space<vmem>>, vector<1x96xf32>
    %add3A = vector.broadcast %get3A_50 : vector<1x96xf32> to vector<6144x96xf32>
    %add3A_51 = arith.addf %dot_general3A_47, %add3A : vector<6144x96xf32>
    %max3A = arith.constant 0.000000e+00 : f32
    %max3A_52 = vector.broadcast %max3A : f32 to vector<6144x96xf32>
    %max3A_53 = arith.maximumf %add3A_51, %max3A_52 : vector<6144x96xf32>
    %convert_element_type3A_54 = arith.truncf %max3A_53 : vector<6144x96xf32> to vector<6144x96xbf16>
    %get3A_55 = arith.constant 0 : index
    %get3A_56 = arith.constant 0 : index
    %get3A_57 = vector.load %arg5[%get3A_55, %get3A_56] : memref<96x72xbf16, #tpu.memory_space<vmem>>, vector<96x72xbf16>
    %dot_general3A_58 = arith.constant dense<0.000000e+00> : vector<6144x72xf32>
    %dot_general3A_59 = tpu.matmul %convert_element_type3A_54, %get3A_57, %dot_general3A_58 {dimension_numbers = #tpu.dot_dimension_numbers<[1], [0], [0], [1], [0, 0, 1, 1], [], []>, transpose_lhs_hint = false} : vector<6144x96xbf16>, vector<96x72xbf16>, vector<6144x72xf32> -> vector<6144x72xf32>
    %get3A_60 = arith.constant 0 : index
    %get3A_61 = arith.constant 0 : index
    %get3A_62 = vector.load %arg7[%get3A_60, %get3A_61] : memref<1x72xf32, #tpu.memory_space<vmem>>, vector<1x72xf32>
    %add3A_63 = vector.broadcast %get3A_62 : vector<1x72xf32> to vector<6144x72xf32>
    %add3A_64 = arith.addf %dot_general3A_59, %add3A_63 : vector<6144x72xf32>
    %transpose3A_65 = tpu.transpose %add3A_64, [1, 0] : vector<6144x72xf32> -> vector<72x6144xf32>
    %slice3A_66 = vector.extract_strided_slice %transpose3A_65 {offsets = [0, 0], sizes = [24, 6144], strides = [1, 1]} : vector<72x6144xf32> to vector<24x6144xf32>
    %swap3A = arith.constant 0 : index
    %swap3A_67 = arith.constant 0 : index
    %swap3A_68 = vector.load %arg8[%swap3A, %swap3A_67] : memref<24x6144xf32, #tpu.memory_space<vmem>>, vector<24x6144xf32>
    tpu.vector_store %arg8[%swap3A, %swap3A_67], %slice3A_66 {strides = array<i32>} : memref<24x6144xf32, #tpu.memory_space<vmem>>, vector<24x6144xf32>,
    %slice3A_69 = vector.extract_strided_slice %transpose3A_65 {offsets = [24, 0], sizes = [48, 6144], strides = [1, 1]} : vector<72x6144xf32> to vector<48x6144xf32>
    %swap3A_70 = arith.constant 0 : index
    %swap3A_71 = arith.constant 0 : index
    %swap3A_72 = vector.load %arg9[%swap3A_70, %swap3A_71] : memref<48x6144xf32, #tpu.memory_space<vmem>>, vector<48x6144xf32>
    tpu.vector_store %arg9[%swap3A_70, %swap3A_71], %slice3A_69 {strides = array<i32>} : memref<48x6144xf32, #tpu.memory_space<vmem>>, vector<48x6144xf32>,
    return
  }
  func.func @transform_0(%arg0: i32) -> (i32, i32) {
    %c0_i32 = arith.constant 0 : i32
    %c0_i32_0 = arith.constant 0 : i32
    return %c0_i32, %arg0 : i32, i32
  }
  func.func @transform_1(%arg0: i32) -> (i32, i32) {
    %mul3A = arith.constant 16 : i32
    %mul3A_0 = arith.muli %arg0, %mul3A : i32
    %sub3A = arith.constant 1 : i32
    %sub3A_1 = arith.subi %mul3A_0, %sub3A : i32
    %max3A = arith.constant 0 : i32
    %max3A_2 = arith.maxsi %sub3A_1, %max3A : i32
    %c0_i32 = arith.constant 0 : i32
    %c0_i32_3 = arith.constant 0 : i32
    return %c0_i32, %max3A_2 : i32, i32
  }
  func.func @transform_2(%arg0: i32) -> (i32, i32) {
    %mul3A = arith.constant 16 : i32
    %mul3A_0 = arith.muli %arg0, %mul3A : i32
    %add3A = arith.constant 16 : i32
    %add3A_1 = arith.addi %mul3A_0, %add3A : i32
    %min3A = arith.constant 383 : i32
    %min3A_2 = arith.minsi %add3A_1, %min3A : i32
    %c0_i32 = arith.constant 0 : i32
    %c0_i32_3 = arith.constant 0 : i32
    return %c0_i32, %min3A_2 : i32, i32
  }
  func.func @transform_3(%arg0: i32) -> (i32, i32) {
    %c0_i32 = arith.constant 0 : i32
    %c0_i32_0 = arith.constant 0 : i32
    %c0_i32_1 = arith.constant 0 : i32
    return %c0_i32, %c0_i32_0 : i32, i32
  }
  func.func @transform_4(%arg0: i32) -> (i32, i32) {
    %c0_i32 = arith.constant 0 : i32
    %c0_i32_0 = arith.constant 0 : i32
    %c0_i32_1 = arith.constant 0 : i32
    return %c0_i32, %c0_i32_0 : i32, i32
  }
  func.func @transform_5(%arg0: i32) -> (i32, i32) {
    %c0_i32 = arith.constant 0 : i32
    %c0_i32_0 = arith.constant 0 : i32
    %c0_i32_1 = arith.constant 0 : i32
    return %c0_i32, %c0_i32_0 : i32, i32
  }
  func.func @transform_6(%arg0: i32) -> (i32, i32) {
    %c0_i32 = arith.constant 0 : i32
    %c0_i32_0 = arith.constant 0 : i32
    %c0_i32_1 = arith.constant 0 : i32
    return %c0_i32, %c0_i32_0 : i32, i32
  }
  func.func @transform_7(%arg0: i32) -> (i32, i32) {
    %c0_i32 = arith.constant 0 : i32
    %c0_i32_0 = arith.constant 0 : i32
    return %c0_i32, %arg0 : i32, i32
  }
  func.func @transform_8(%arg0: i32) -> (i32, i32) {
    %c0_i32 = arith.constant 0 : i32
    %c0_i32_0 = arith.constant 0 : i32
    return %c0_i32, %arg0 : i32, i32
  }
}

</mosaic_0001>

<sc_bundles>
// kernel: sparse-core-data-format-call.cloned.1.call-start
scs
called_computation_lowered:
.L_overlay_start_0:
0x0: {  	s2 =	sld [smem:$0x3FD9]  }
0x1: {  	s3 =	sld [smem:$0x3FFE];
	_ =	sdelay $0x1  }
0x2: {  	s1 =	srdreg.scid  }
0x3: {  	s0 =	sand.u32 $0x1, s1  }
0x4: {  	s18 =	sshll.u32 s0, $0xA;
	s2 =	sadd.s32 s3, s2  }
0x5: {  	s2 =	sadd.s32 s2, s18  }
0x6: {  	[smem:$0x3FC1] =	sst s2  }
0x7: {  	_ = 	snop  }
0x8: {  	s2 =	sld [smem:$0x3FC9];
	(tm) =	ssettm $0x1  }
0x9: {  	s19 =	sld [smem:$0x3FFB];
	_ =	sdelay $0x3  }
0xa: {  	_ =	strace s19  }
0xb: {  	s3 =	sld [smem:$0x3FFC];
	_ =	sdelay $0x3  }
0xc: {  	_ =	strace s3  }
0xd: {  	s3 =	sld [smem:$0x3FFD];
	_ =	sdelay $0x3  }
0xe: {  	_ =	strace s3  }
0xf: {  	_ =	strace $0x8FFFFFFF  }
0x10: {  	s20 =	sld [smem:$0x3FDB];
	_ =	sdelay $0x1  }
0x11: {  	s4 =	simm.s32 $_scs_section_size  }
0x12: {  	s5 =	simm.s32 $_size__tile_overlayer_lowered;
	s6 =	simm.s32 $_tile_overlayer_lowered  }
0x13: {  	s23 =	simm.s32 $0x1BFF;
	s22 =	sshll.u32 s6, $0x1;
	s3 =	sadd.s32 s4, s20  }
0x14: {  	s7 =	simm.s32 $0x0;
	s21 =	sshll.u32 s5, $0x1;
	s5 =	sadd.s32 s22, s3  }
0x15: {  	[timem:s7], [sflag:s23] =	dma.local [hbm:s5], s21  }
0x16: {  	_ =	swait.ge [sflag:s23], s21  }
0x17: {  	s4 =	ssub.s32 $0x0, s21;
	[sflag:s23] =	ssyncset.done $0x0  }
0x18: {  	[sflag:s23] =	ssyncadd.s32 s4;
	_ =	sdelay $0x1  }
0x19: {  	s24 =	simm.s32 $0x1B8B  }
0x1a: {  	_ =	swait.ge [sflag:s24], $0x1  }
0x1b: {  	[sflag:s24] =	ssyncset.done $0x0  }
0x1c: {  	s26 =	simm.s32 $0x1B8E;
	s25 =	sld [smem:$0x3FFE];
	[sflag:s24] =	ssyncadd.s32 $0xFFFFFFFF  }
0x1d: {  	s27 =	simm.s32 $execute0_lowered;
	[smem:$0x3FD2] =	sst s26  }
0x1e: {  	s5 =	sshll.u32 s27, $0x1;
	_ =	strace $0x80000046;
	[dreg:$0x1] =	wrdreg $0xFFFFFFFF  }
0x1f: {  	s28 =	simm.s32 $_size_execute0_lowered;
	s3 =	sadd.s32 s3, s5;
	[dreg:$0x0] =	wrdreg $0x0  }
0x20: {  	s5 =	sshll.u32 s28, $0x1;
	[dreg:$0x2] =	wrdreg s3  }
0x21: {  	[dreg:$0x3] =	wrdreg s5  }
0x22: {  	[dreg:$0x4] =	wrdreg $0xC0  }
0x23: {  	_ =	task [dreg:s7], $0x5FFFF  }
0x24: {  	[dreg:$0x1] =	wrdreg $0xFFFFFFFF  }
0x25: {  	[dreg:$0x0] =	wrdreg $0x60  }
0x26: {  	[dreg:$0x2] =	wrdreg s2  }
0x27: {  	[dreg:$0x3] =	wrdreg s25  }
0x28: {  	[dreg:$0x4] =	wrdreg $0x9  }
0x29: {  	_ =	task.clear_ibuf [dreg:s7], $0x5FFFF;
	_ =	strace $0x90000046  }
0x2a: {  	s29 =	simm.s32 $0x9;
	_ =	strace $0x80000048  }
0x2b: {  	_ =	swait.ge [sflag:s29], $0x1  }
0x2c: {  	[sflag:s29] =	ssyncadd.s32 $0xFFFFFFFF  }
0x2d: {  	_ =	strace $0x90000048  }
0x2e: {  	_ =	sfence  }
0x2f: {  	s30 =	sld [smem:$0x0];
	_ =	sdelay $0x2  }
0x30: {  	s31 =	sshll.u32 s1, $0xD;
	s1 =	sshrl.u32 s1, $0x2  }
0x31: {  	s3 =	sand.u32 $0x4000, s31;
	s1 =	sadd.s32 s1, s30  }
0x32: {  	s0 =	sor.u32 s3, s0;
	s1 =	sshll.u32 s1, $0x11  }
0x33: {  	s0 =	sor.u32 s1, s0  }
0x34: {  	s0 =	sadd.s32 $0x8F2B, s0  }
0x35: {  	[sflag:s0] =	ssyncadd.remote.s32 $0x1  }
0x36: {  	_ =	sfence.sel $0xFFFF  }
0x37: {  	[dreg:$0x0] =	wrdreg $0xFFFFFFFF;
	(pc) =	sbr.abs _section_cstart, $3  }
0x38: {  	[dreg:$0x1] =	wrdreg $0xFFFFFFFF  }
0x39: {  	_ =	task.clear_ibuf [dreg:s7], $0x2FFFF;
	_ =	strace $0x9FFFFFFF  }
0x3a: {  	(tm) =	ssettm $0x7FFFFFFF  }
0x3b: {  	_ =	shalt  }
tec
execute0_lowered:
.L_overlay_start_1:
0x0: {  	(tag) =	ssettag $0x1  }
0x1: {  	s2 =	rddreg [dreg:$0x0]  }
0x2: {  	s1 =	rddreg [dreg:$0x1]  }
0x3: {  	s0 =	rddreg [dreg:$0x2];
	s4 =	srdreg.scid  }
0x4: {  	_ =	strace $0x80000047;
	s7 =	simm.s32 $0x2;
	s15 =	simm.s32 $0x0  }
0x5: {  	p0 =	por $0x0, $0x0;
	s13 =	simm.s32 $0x0;
	s16 =	simm.s32 $0x0  }
0x6: {  	s14 =	simm.s32 $0x0;
	s9 =	simm.s32 $0x0;
	s10 =	simm.s32 $0x0  }
.Ltmp0:
0x7: {  	s3 =	sadd.s32 $0x1200, s1;
	s4 =	sshll.u32 s4, $0x4;
	(pc) =	sbr.rel .LBB1_1-.Ltmp0, $4  }
0x8: {  	s1 =	stileid.u32;
	s5 =	sand.u32 $0x10, s4;
	s4 =	simm.s32 $0x1  }
0x9: {  	s8 =	simm.s32 $0x0;
	s6 =	sor.u32 s1, s5;
	[sflag:s4] =	ssyncpa.u1 $0x0  }
0xa: {  	s5 =	sand.u32 $0x3, s1;
	s6 =	sshrl.u32 s6, $0x2;
	[sflag:s7] =	ssyncpa.u1 $0x0  }
0xb: {  	s7 =	simm.s32 $0xC00;
	s12 =	smov.u32 s5;
	s11 =	smov.u32 s6  }
.LBB1_5:
0xc: {  	s17 =	sadd.s32 $0x80, s9  }
0xd: {  	s13 =	sadd.s32 $0x80, s10;
	s18 =	smov.u32 s10;
	p2 =	sgt.s32 s17, $0x17F  }
0xe: {  	s18 =	smov.u32 @p2 s13  }
0xf: {  	s19 =	smov.u32 s11;
	s13 =	sadd.s32 $0x8, s11;
	p3 =	sgt.s32 s18, $0x17F  }
0x10: {  	s19 =	smov.u32 @p3 s13  }
0x11: {  	s20 =	smov.u32 s12;
	s13 =	sadd.s32 $0x4, s12;
	p4 =	sgt.s32 s19, $0x7  }
0x12: {  	p1 =	slt.u32 s8, $0x2;
	s20 =	smov.u32 @p4 s13  }
0x13: {  	s8 =	sadd.s32 $0x1, s8;
	s17 =	simm.s32 @p2 $0x0;
	p2 =	sgt.s32 s20, $0xB  }
0x14: {  	s15 =	smov.u32 s9;
	s20 =	smov.u32 @p2 s5;
	p2 =	sne.s32 s8, $0x1D  }
.Ltmp1:
0x15: {  	s16 =	smov.u32 s11;
	s21 =	simm.s32 @!p1 $0x2;
	(pc) =	sbr.rel @!p2 .LBB1_6-.Ltmp1, $4  }
0x16: {  	s14 =	smov.u32 s12;
	p0 =	por !p0, !p0;
	_ =	swait.ge @!p1 [sflag:s21], $0x4000  }
0x17: {  	[sflag:s21] =	ssyncset.done @!p1 $0x0;
	s9 =	smov.u32 s17;
	s18 =	simm.s32 @p3 $0x0  }
0x18: {  	[sflag:s21] =	ssyncadd.s32 @!p1 $0xFFFFC000;
	s19 =	smov.u32 @p4 s6;
	s13 =	smov.u32 s10  }
0x19: {  	s10 =	smov.u32 s18;
	s11 =	smov.u32 s19;
	s12 =	smov.u32 s20  }
.LBB1_1:
0x1a: {  	p1 =	sgt.u32 s8, $0x1A  }
0x1b: {  	s17 =	sshrl.u32 @!p1 s10, $0x3  }
0x1c: {  	s18 =	sshll.u32 @!p1 s9, $0x3;
	s17 =	smul.u32 @!p1 $0xC00, s17  }
0x1d: {  	s19 =	sshll.u32 @!p1 s10, $0x7;
	s18 =	sand.u32 @!p1 $0xFFFFFC00, s18  }
0x1e: {  	s17 =	sadd.s32 @!p1 s17, s18;
	s18 =	sand.u32 @!p1 $0x380, s19  }
0x1f: {  	s19 =	sand.u32 @!p1 $0x7F, s9;
	s17 =	sor.u32 @!p1 s18, s17  }
0x20: {  	s18 =	sor.u32 @!p1 s19, s17;
	s17 =	smulhi.u32 @!p1 $0xAAAAAAAB, s17;
	_ =	sdelay $0x1  }
0x21: {  	s19 =	smulhi.u32 @!p1 $0xAAAAAAAB, s18;
	s17 =	sshrl.u32 @!p1 s17, $0x8  }
0x22: {  	s20 =	smulhi.u32 @!p1 $0xAAAAAB, s17  }
0x23: {  	s22 =	smul.u32 @!p1 $0x24000, s12  }
0x24: {  	s19 =	sshrl.u32 @!p1 s19, $0x8;
	s20 =	smul.u32 @!p1 $0x180, s20  }
0x25: {  	s21 =	sxor.u32 @!p1 $0xFFFFFFFF, s8;
	s19 =	smul.u32 @!p1 $0x180, s19  }
0x26: {  	s21 =	sshll.u32 @!p1 s21, $0xE;
	s17 =	ssub.s32 @!p1 s17, s20;
	s20 =	smul.u32 @!p1 $0x4800, s11  }
0x27: {  	s18 =	ssub.s32 @!p1 s18, s19;
	s19 =	sadd.s32 @!p1 s2, s22;
	s17 =	smul.u32 @!p1 $0x30, s17  }
0x28: {  	s21 =	sand.u32 @!p1 $0x4000, s21;
	s19 =	sadd.s32 @!p1 s20, s19;
	s20 =	sand.u32 @!p1 $0x7, s18  }
0x29: {  	s18 =	sshrl.u32 @!p1 s18, $0x3;
	s17 =	sadd.s32 @!p1 s17, s19;
	s19 =	sshll.u32 @!p1 s20, $0x12  }
0x2a: {  	s17 =	sadd.s32 @!p1 s18, s17;
	s18 =	sor.u32 @!p1 $0x400, s19;
	s19 =	simm.s32 @!p1 $0xC00  }
0x2b: {  	[tilespmem:s21], [sflag:$0x1] =	stream.strided.gather @!p1 [hbm4b:s17+s18], $0x4000, s19, s18, $0x38;
	[tilespmem:$0x10000] =	vst v63  }
0x2c: {  	p1 =	seq.s32 s8, $0x0  }
0x2d: {  	p2 =	seq.s32 @!p1 s8, $0x1C  }
0x2e: {  	p1 =	por p1, p2  }
.Ltmp2:
0x2f: {  	_ = 	snop;
	(pc) =	sbr.rel @p1 .LBB1_5-.Ltmp2, $1  }
0x30: {  	_ =	sdelay $0x3  }
0x31: {  	s17 =	simm.s32 $0x1  }
0x32: {  	s17 =	simm.s32 @!p0 $0x0  }
0x33: {  	s17 =	sshll.u32 s17, $0xE  }
0x34: {  	s18 =	sor.u32 $0x40, s17  }
0x35: {  	v1 =	vmov s18;
	_ =	sdelay $0x1  }
0x36: {  	_ =	swait.ge [sflag:s4], $0x4000  }
0x37: {  	[sflag:s4] =	ssyncset.done $0x0  }
0x38: {  	s19 =	simm.s32 $0x0;
	[sflag:s4] =	ssyncadd.s32 $0xFFFFC000  }
0x39: {  	s17 =	sor.u32 $0x8070, s17;
	v6 =	vld.idx.msk [tilespmem:v1+s19+$0x30 ss:$0x1], $0xffff  }
0x3a: {  	v0 =	vmov s17;
	v8 =	vld.idx.msk [tilespmem:v1+s19+$0xFFFFFFC0 ss:$0x1], $0xffff  }
0x3b: {  	v7 =	vld.idx.msk [tilespmem:v1+s19+$0xFFFFFFD0 ss:$0x1], $0xffff  }
0x3c: {  	v5 =	vld.idx.msk [tilespmem:v1+s19+$0xFFFFFFE0 ss:$0x1], $0xffff  }
0x3d: {  	v4 =	vld.idx.msk [tilespmem:v1+s19+$0xFFFFFFF0 ss:$0x1], $0xffff  }
0x3e: {  	s31 =	sshll.u32 s8, $0xE;
	v2 =	vld.idx.msk [tilespmem:v1+s19+$0x0 ss:$0x1], $0xffff  }
0x3f: {  	s17 =	sand.u32 $0x4000, s31;
	v3 =	vld.idx.msk [tilespmem:v1+s19+$0x10 ss:$0x1], $0xffff;
	[tilespmem:v0+s19+$0x0 ss:$0x1] =	vst.idx.msk $0xffff, v6  }
0x40: {  	s20 =	simm.s32 $0x400;
	s18 =	simm.s32 $0x80;
	s17 =	sor.u32 $0x8000, s17;
	[tilespmem:v0+s19+$0xFFFFFF90 ss:$0x1] =	vst.idx.msk $0xffff, v8;
	v6 =	vld.idx.msk [tilespmem:v1+s19+$0x20 ss:$0x1], $0xffff  }
.LBB1_3:
0x41: {  	p1 =	sne.s32 s20, $0xFE00;
	v8 =	vld.idx.msk [tilespmem:v1+s18+$0x30 ss:$0x1], $0xffff;
	[tilespmem:v0+s19+$0xFFFFFFA0 ss:$0x1] =	vst.idx.msk $0xffff, v7  }
0x42: {  	v9 =	vld.idx.msk [tilespmem:v1+s18+$0xFFFFFFC0 ss:$0x1], $0xffff;
	[tilespmem:v0+s19+$0xFFFFFFB0 ss:$0x1] =	vst.idx.msk $0xffff, v5  }
0x43: {  	v7 =	vld.idx.msk [tilespmem:v1+s18+$0xFFFFFFD0 ss:$0x1], $0xffff;
	[tilespmem:v0+s19+$0xFFFFFFC0 ss:$0x1] =	vst.idx.msk $0xffff, v4  }
.Ltmp3:
0x44: {  	v5 =	vld.idx.msk [tilespmem:v1+s18+$0xFFFFFFE0 ss:$0x1], $0xffff;
	[tilespmem:v0+s19+$0xFFFFFFD0 ss:$0x1] =	vst.idx.msk $0xffff, v2;
	(pc) =	sbr.rel @p1 .LBB1_3-.Ltmp3, $4  }
0x45: {  	v4 =	vld.idx.msk [tilespmem:v1+s18+$0xFFFFFFF0 ss:$0x1], $0xffff;
	[tilespmem:v0+s19+$0xFFFFFFE0 ss:$0x1] =	vst.idx.msk $0xffff, v3  }
0x46: {  	v2 =	vld.idx.msk [tilespmem:v1+s18+$0x0 ss:$0x1], $0xffff;
	[tilespmem:v0+s19+$0xFFFFFFF0 ss:$0x1] =	vst.idx.msk $0xffff, v6;
	s19 =	smov.u32 s18  }
0x47: {  	v3 =	vld.idx.msk [tilespmem:v1+s19+$0x10 ss:$0x1], $0xffff;
	[tilespmem:v0+s19+$0x0 ss:$0x1] =	vst.idx.msk $0xffff, v8  }
0x48: {  	s18 =	sshra.s32 s20, $0x2;
	s20 =	sadd.s32 $0x200, s20;
	[tilespmem:v0+s19+$0xFFFFFF90 ss:$0x1] =	vst.idx.msk $0xffff, v9;
	v6 =	vld.idx.msk [tilespmem:v1+s19+$0x20 ss:$0x1], $0xffff  }
0x49: {  	_ =	sdelay $0x2  }
0x4a: {  	s20 =	sshrl.u32 s16, $0x3  }
0x4b: {  	s21 =	sshll.u32 s15, $0x3;
	[tilespmem:v0+s19+$0xFFFFFFA0 ss:$0x1] =	vst.idx.msk $0xffff, v7;
	s20 =	smul.u32 $0xC00, s20  }
0x4c: {  	s27 =	sshll.u32 s16, $0x7;
	v56 =	vld.idx.msk [tilespmem:v1+s18+$0x30 ss:$0x1], $0xffff;
	[tilespmem:v0+s19+$0xFFFFFFB0 ss:$0x1] =	vst.idx.msk $0xffff, v5;
	s21 =	sand.u32 $0xFFFFFC00, s21  }
0x4d: {  	v57 =	vld.idx.msk [tilespmem:v1+s18+$0xFFFFFFC0 ss:$0x1], $0xffff;
	s16 =	sand.u32 $0x380, s27;
	[tilespmem:v0+s19+$0xFFFFFFC0 ss:$0x1] =	vst.idx.msk $0xffff, v4;
	s20 =	sadd.s32 s20, s21  }
0x4e: {  	s28 =	sand.u32 $0x7F, s15;
	v58 =	vld.idx.msk [tilespmem:v1+s18+$0xFFFFFFD0 ss:$0x1], $0xffff;
	[tilespmem:v0+s19+$0xFFFFFFD0 ss:$0x1] =	vst.idx.msk $0xffff, v2;
	s16 =	sor.u32 s16, s20  }
0x4f: {  	v59 =	vld.idx.msk [tilespmem:v1+s18+$0xFFFFFFE0 ss:$0x1], $0xffff;
	[tilespmem:v0+s19+$0xFFFFFFE0 ss:$0x1] =	vst.idx.msk $0xffff, v3;
	s15 =	sor.u32 s28, s16;
	s16 =	smulhi.u32 $0xAAAAAAAB, s16  }
0x50: {  	v60 =	vld.idx.msk [tilespmem:v1+s18+$0xFFFFFFF0 ss:$0x1], $0xffff;
	[tilespmem:v0+s19+$0xFFFFFFF0 ss:$0x1] =	vst.idx.msk $0xffff, v6;
	s29 =	smulhi.u32 $0xAAAAAAAB, s15  }
0x51: {  	v61 =	vld.idx.msk [tilespmem:v1+s18+$0x0 ss:$0x1], $0xffff;
	s14 =	smul.u32 $0x24000, s14;
	[tilespmem:v0+s18+$0x0 ss:$0x1] =	vst.idx.msk $0xffff, v56  }
0x52: {  	v62 =	vld.idx.msk [tilespmem:v1+s18+$0x10 ss:$0x1], $0xffff;
	s13 =	smul.u32 $0x180, s13;
	[tilespmem:v0+s18+$0xFFFFFF90 ss:$0x1] =	vst.idx.msk $0xffff, v57;
	s16 =	sshrl.u32 s16, $0x8;
	s30 =	sshrl.u32 s29, $0x8  }
0x53: {  	v63 =	vld.idx.msk [tilespmem:v1+s18+$0x20 ss:$0x1], $0xffff;
	[tilespmem:v0+s18+$0xFFFFFFA0 ss:$0x1] =	vst.idx.msk $0xffff, v58;
	s16 =	sand.u32 $0x7, s16;
	s19 =	smul.u32 $0x180, s30  }
0x54: {  	[tilespmem:v0+s18+$0xFFFFFFB0 ss:$0x1] =	vst.idx.msk $0xffff, v59;
	s16 =	smul.u32 $0x30, s16  }
.Ltmp4:
0x55: {  	s14 =	sadd.s32 s3, s14;
	[tilespmem:v0+s18+$0xFFFFFFC0 ss:$0x1] =	vst.idx.msk $0xffff, v60;
	s15 =	ssub.s32 s15, s19;
	(pc) =	sbr.rel .LBB1_5-.Ltmp4, $4  }
0x56: {  	s13 =	sadd.s32 s13, s14;
	[tilespmem:v0+s18+$0xFFFFFFD0 ss:$0x1] =	vst.idx.msk $0xffff, v61;
	s31 =	sand.u32 $0x7, s15  }
0x57: {  	[tilespmem:v0+s18+$0xFFFFFFE0 ss:$0x1] =	vst.idx.msk $0xffff, v62;
	s13 =	sadd.s32 s16, s13;
	s15 =	sshrl.u32 s15, $0x3;
	s14 =	sshll.u32 s31, $0x12  }
0x58: {  	[tilespmem:v0+s18+$0xFFFFFFF0 ss:$0x1] =	vst.idx.msk $0xffff, v63;
	s13 =	sadd.s32 s15, s13;
	s14 =	sor.u32 $0x80, s14  }
0x59: {  	[hbm4b:s13+s14] =	stream.strided.scatter [tilespmem:s17], [sflag:$0x2], $0x4000, s7, s14, $0x38;
	[tilespmem:$0x10000] =	vst v63  }
.LBB1_6:
0x5a: {  	_ =	sfence.sel $0x180000  }
0x5b: {  	s2 =	simm.s32 $0x1;
	[bflag:$0x0] =	sbarrier.arrive $0xFFFF  }
0x5c: {  	s31 =	simm.s32 $0x2;
	[sflag:s2] =	ssyncpa.u1 $0x1  }
0x5d: {  	[sflag:s31] =	ssyncpa.u1 $0x1  }
0x5e: {  	p0 =	sne.s32 s1, $0x0;
	_ =	strace $0x90000047  }
0x5f: {  	s0 =	sadd.s32 @!p0 $0x100000, s0;
	[bflag:$0x2] =	sbarrier.arrive $0xFFFF  }
0x60: {  	[sflag:s0] =	ssyncadd.tile.s32 @!p0 $0x1;
	_ =	shalt  }
.Lfunc_end1:
_tile_overlayer_lowered:
.L_overlay_start_2:
0x61: {  	(tag) =	ssettag $0x2  }
0x62: {  	s0 =	rddreg [dreg:$0x0];
	s2 =	stileid.u32  }
0x63: {  	s1 =	rddreg [dreg:$0x1];
	p0 =	sne.s32 s2, $0x0  }
0x64: {  	s3 =	rddreg [dreg:$0x2];
	[bflag:$0x3] =	sbarrier.arrive $0xFFFF;
	s2 =	simm.s32 @!p0 $0x1C01  }
0x65: {  	[timem:s3], [sflag:s2] =	dma.local @!p0 [hbm:s0], s1  }
0x66: {  	s0 =	simm.s32 @!p0 $0x1  }
0x67: {  	_ =	swait.ge @!p0 [sflag:s0], s1  }
0x68: {  	s1 =	ssub.s32 @!p0 $0x0, s1;
	[sflag:s0] =	ssyncset.done @!p0 $0x0  }
0x69: {  	[sflag:s0] =	ssyncadd.s32 @!p0 s1  }
0x6a: {  	[bflag:$0x3] =	sbarrier.arrive $0xFFFF  }
0x6b: {  	_ =	shalt  }

</sc_bundles>
